<compile_context>
chip_gen: v7x
topology: tpu7x:2x2x1
jax: 0.10.2.dev20260603
libtpu: 0.0.44.dev20260713+nightly
codegen_flags: <defaults>
</compile_context>

<pallas_src>
import functools

import jax
import jax.numpy as jnp
from jax import lax
from jax.experimental import pallas as pl
from jax.experimental.pallas import tpu as pltpu
from jax.experimental.pallas import tpu_sc as plsc

DIM = 128
NC, NS = 2, 16
NW = NC * NS
CHUNK = 128
NBUF = 4


def _make_gather(rows):
    rows_per_w = rows // NW
    chunks = rows_per_w // CHUNK
    groups = chunks // NBUF
    mesh = plsc.VectorSubcoreMesh(core_axis_name="c", subcore_axis_name="s")

    scratch = (
        [pltpu.VMEM((CHUNK,), jnp.int32) for _ in range(NBUF)]
        + [pltpu.VMEM((CHUNK, DIM), jnp.float32) for _ in range(NBUF)]
        + [pltpu.SemaphoreType.DMA for _ in range(2 * NBUF)]
    )

    @functools.partial(
        pl.kernel,
        mesh=mesh,
        out_type=jax.ShapeDtypeStruct((rows, DIM), jnp.float32),
        scratch_types=scratch,
    )
    def gather_kernel(idx_hbm, table_hbm, out_hbm, *bufs):
        idxs = bufs[0:NBUF]
        rowbufs = bufs[NBUF:2 * NBUF]
        gsems = bufs[2 * NBUF:3 * NBUF]
        ssems = bufs[3 * NBUF:4 * NBUF]

        wid = lax.axis_index("s") * NC + lax.axis_index("c")
        base = wid * rows_per_w

        def fetch(g, b):
            off = base + g * CHUNK
            pltpu.sync_copy(idx_hbm.at[pl.ds(off, CHUNK)], idxs[b])
            pltpu.async_copy(table_hbm.at[idxs[b]], rowbufs[b], gsems[b])

        for b in range(NBUF):
            fetch(b, b)

        def group(i, carry):
            g0 = i * NBUF
            for b in range(NBUF):
                g = g0 + b
                off = base + g * CHUNK
                pltpu.make_async_copy(
                    table_hbm.at[idxs[b]], rowbufs[b], gsems[b]).wait()
                pltpu.async_copy(
                    rowbufs[b], out_hbm.at[pl.ds(off, CHUNK)], ssems[b])
            for b in range(NBUF):
                g = g0 + b
                off = base + g * CHUNK
                pltpu.make_async_copy(
                    rowbufs[b], out_hbm.at[pl.ds(off, CHUNK)],
                    ssems[b]).wait()

                @pl.when(g + NBUF < chunks)
                def _():
                    fetch(g + NBUF, b)

            return carry

        lax.fori_loop(0, groups, group, 0)

    return gather_kernel


def kernel(indices, table):
    batch, seq = indices.shape
    rows = batch * seq
    out = _make_gather(rows)(indices.reshape(rows), table)
    return out.reshape(batch, seq, DIM)

# --- scband reference (transcript-rebuilt; emitter-appended) ---
"""Pipeline reference for scband-encoding-layer-85504208929238 (READ-ONLY COPY).

The authoritative reference and input builder live on the scoring server;
editing this copy changes nothing except your own understanding.
"""

import jax, jax.numpy as jnp
import numpy as np

VOCAB = 100000
DIM = 128
BATCH = 4096
SEQ = 200


def setup_inputs(seed: int = 0) -> dict:
    key = jax.random.key(seed)
    k1, k2 = jax.random.split(key)
    indices = jax.random.randint(k1, (BATCH, SEQ), 0, VOCAB, dtype=jnp.int32)
    # Embedding table (learned parameter), init like nn.Embedding default N(0,1)
    table = jax.random.normal(k2, (VOCAB, DIM), dtype=jnp.float32)
    return {"indices": indices, "table": table}


def reference(indices, table):
    # EncodingLayer.forward: embedding lookup (positional_encoding is None)
    out = jnp.take(table, indices, axis=0)  # [BATCH, SEQ, DIM]
    return out

if __name__ == "__main__":
    import jax
    _d = setup_inputs()
    print(jax.jit(kernel)(*tuple(_d.values())))

</pallas_src>

<mosaic_0001>
#map = affine_map<(d0, d1) -> (0)>
#map1 = affine_map<(d0, d1) -> (0, 0)>
module attributes {stable_mosaic.version = 14 : i64} {
  func.func @gather_kernel(%arg0: i32, %arg1: i32, %arg2: memref<819200xi32, #tpu.memory_space<hbm>>, %arg3: memref<100000x128xf32, #tpu.memory_space<hbm>>, %arg4: memref<819200x128xf32, #tpu.memory_space<hbm>>, %arg5: memref<128xi32, #tpu.memory_space<vmem>>, %arg6: memref<128xi32, #tpu.memory_space<vmem>>, %arg7: memref<128xi32, #tpu.memory_space<vmem>>, %arg8: memref<128xi32, #tpu.memory_space<vmem>>, %arg9: memref<128x128xf32, #tpu.memory_space<vmem>>, %arg10: memref<128x128xf32, #tpu.memory_space<vmem>>, %arg11: memref<128x128xf32, #tpu.memory_space<vmem>>, %arg12: memref<128x128xf32, #tpu.memory_space<vmem>>, %arg13: memref<!tpu.dma_semaphore, #tpu.memory_space<semaphore_mem>>, %arg14: memref<!tpu.dma_semaphore, #tpu.memory_space<semaphore_mem>>, %arg15: memref<!tpu.dma_semaphore, #tpu.memory_space<semaphore_mem>>, %arg16: memref<!tpu.dma_semaphore, #tpu.memory_space<semaphore_mem>>, %arg17: memref<!tpu.dma_semaphore, #tpu.memory_space<semaphore_mem>>, %arg18: memref<!tpu.dma_semaphore, #tpu.memory_space<semaphore_mem>>, %arg19: memref<!tpu.dma_semaphore, #tpu.memory_space<semaphore_mem>>, %arg20: memref<!tpu.dma_semaphore, #tpu.memory_space<semaphore_mem>>) attributes {dimension_semantics = [#tpu.dimension_semantics<core_parallel>, #tpu.dimension_semantics<subcore_parallel>], iteration_bounds = array<i64: 2, 16>, scalar_prefetch = 0 : i64, scratch_operands = 16 : i64, tpu.core_type = #tpu.core_type<sc_vector_subcore>, window_params = [{transform_indices = #map}, {transform_indices = #map1}, {transform_indices = #map1}]} {
    %mul3A = arith.constant 2 : i32
    %mul3A_0 = arith.muli %arg1, %mul3A : i32
    %add3A = arith.addi %mul3A_0, %arg0 : i32
    %mul3A_1 = arith.constant 25600 : i32
    %mul3A_2 = arith.muli %add3A, %mul3A_1 : i32
    %add3A_3 = arith.constant 0 : i32
    %add3A_4 = arith.addi %mul3A_2, %add3A_3 : i32
    "tpu.region"() ({
      %run_scoped3A = tpu.sem_alloc : memref<!tpu.dma_semaphore, #tpu.memory_space<semaphore_mem>>
      %dma_start3A_27 = tpu.memref_slice %arg2[%add3A_4] : memref<819200xi32, #tpu.memory_space<hbm>> -> memref<128xi32, #tpu.memory_space<hbm>>
      %dma_start3A_28 = tpu.memref_slice %arg2[%add3A_4] : memref<819200xi32, #tpu.memory_space<hbm>> -> memref<128xi32, #tpu.memory_space<hbm>>
      tpu.enqueue_dma source(%dma_start3A_28 : memref<128xi32, #tpu.memory_space<hbm>>) target(%arg5 : memref<128xi32, #tpu.memory_space<vmem>>) target_semaphore(%run_scoped3A : memref<!tpu.dma_semaphore, #tpu.memory_space<semaphore_mem>>)
      %dma_wait3A = tpu.memref_slice %arg2[%add3A_4] : memref<819200xi32, #tpu.memory_space<hbm>> -> memref<128xi32, #tpu.memory_space<hbm>>
      %dma_wait3A_29 = tpu.memref_slice %arg2[%add3A_4] : memref<819200xi32, #tpu.memory_space<hbm>> -> memref<128xi32, #tpu.memory_space<hbm>>
      tpu.wait_dma2 semaphore(%run_scoped3A : memref<!tpu.dma_semaphore, #tpu.memory_space<semaphore_mem>>) src(%dma_wait3A_29 : memref<128xi32, #tpu.memory_space<hbm>>) dst(%arg5 : memref<128xi32, #tpu.memory_space<vmem>>)
      tpu.yield
    }) : () -> ()
    %dma_start3A = arith.constant 0 : i32
    %dma_start3A_5 = arith.constant 0 : i32
    %dma_start3A_6 = tpu.memref_slice %arg3[%dma_start3A, %dma_start3A_5] : memref<100000x128xf32, #tpu.memory_space<hbm>> -> memref<100000x128xf32, #tpu.memory_space<hbm>>
    tpu.enqueue_indirect_dma source(%dma_start3A_6 : memref<100000x128xf32, #tpu.memory_space<hbm>>) target(%arg9 : memref<128x128xf32, #tpu.memory_space<vmem>>) offsets(%arg5 : memref<128xi32, #tpu.memory_space<vmem>>) semaphore(%arg13 : memref<!tpu.dma_semaphore, #tpu.memory_space<semaphore_mem>>)
    %add3A_7 = arith.constant 128 : i32
    %add3A_8 = arith.addi %mul3A_2, %add3A_7 : i32
    "tpu.region"() ({
      %run_scoped3A = tpu.sem_alloc : memref<!tpu.dma_semaphore, #tpu.memory_space<semaphore_mem>>
      %dma_start3A_27 = tpu.memref_slice %arg2[%add3A_8] : memref<819200xi32, #tpu.memory_space<hbm>> -> memref<128xi32, #tpu.memory_space<hbm>>
      %dma_start3A_28 = tpu.memref_slice %arg2[%add3A_8] : memref<819200xi32, #tpu.memory_space<hbm>> -> memref<128xi32, #tpu.memory_space<hbm>>
      tpu.enqueue_dma source(%dma_start3A_28 : memref<128xi32, #tpu.memory_space<hbm>>) target(%arg6 : memref<128xi32, #tpu.memory_space<vmem>>) target_semaphore(%run_scoped3A : memref<!tpu.dma_semaphore, #tpu.memory_space<semaphore_mem>>)
      %dma_wait3A = tpu.memref_slice %arg2[%add3A_8] : memref<819200xi32, #tpu.memory_space<hbm>> -> memref<128xi32, #tpu.memory_space<hbm>>
      %dma_wait3A_29 = tpu.memref_slice %arg2[%add3A_8] : memref<819200xi32, #tpu.memory_space<hbm>> -> memref<128xi32, #tpu.memory_space<hbm>>
      tpu.wait_dma2 semaphore(%run_scoped3A : memref<!tpu.dma_semaphore, #tpu.memory_space<semaphore_mem>>) src(%dma_wait3A_29 : memref<128xi32, #tpu.memory_space<hbm>>) dst(%arg6 : memref<128xi32, #tpu.memory_space<vmem>>)
      tpu.yield
    }) : () -> ()
    %dma_start3A_9 = arith.constant 0 : i32
    %dma_start3A_10 = arith.constant 0 : i32
    %dma_start3A_11 = tpu.memref_slice %arg3[%dma_start3A_9, %dma_start3A_10] : memref<100000x128xf32, #tpu.memory_space<hbm>> -> memref<100000x128xf32, #tpu.memory_space<hbm>>
    tpu.enqueue_indirect_dma source(%dma_start3A_11 : memref<100000x128xf32, #tpu.memory_space<hbm>>) target(%arg10 : memref<128x128xf32, #tpu.memory_space<vmem>>) offsets(%arg6 : memref<128xi32, #tpu.memory_space<vmem>>) semaphore(%arg14 : memref<!tpu.dma_semaphore, #tpu.memory_space<semaphore_mem>>)
    %add3A_12 = arith.constant 256 : i32
    %add3A_13 = arith.addi %mul3A_2, %add3A_12 : i32
    "tpu.region"() ({
      %run_scoped3A = tpu.sem_alloc : memref<!tpu.dma_semaphore, #tpu.memory_space<semaphore_mem>>
      %dma_start3A_27 = tpu.memref_slice %arg2[%add3A_13] : memref<819200xi32, #tpu.memory_space<hbm>> -> memref<128xi32, #tpu.memory_space<hbm>>
      %dma_start3A_28 = tpu.memref_slice %arg2[%add3A_13] : memref<819200xi32, #tpu.memory_space<hbm>> -> memref<128xi32, #tpu.memory_space<hbm>>
      tpu.enqueue_dma source(%dma_start3A_28 : memref<128xi32, #tpu.memory_space<hbm>>) target(%arg7 : memref<128xi32, #tpu.memory_space<vmem>>) target_semaphore(%run_scoped3A : memref<!tpu.dma_semaphore, #tpu.memory_space<semaphore_mem>>)
      %dma_wait3A = tpu.memref_slice %arg2[%add3A_13] : memref<819200xi32, #tpu.memory_space<hbm>> -> memref<128xi32, #tpu.memory_space<hbm>>
      %dma_wait3A_29 = tpu.memref_slice %arg2[%add3A_13] : memref<819200xi32, #tpu.memory_space<hbm>> -> memref<128xi32, #tpu.memory_space<hbm>>
      tpu.wait_dma2 semaphore(%run_scoped3A : memref<!tpu.dma_semaphore, #tpu.memory_space<semaphore_mem>>) src(%dma_wait3A_29 : memref<128xi32, #tpu.memory_space<hbm>>) dst(%arg7 : memref<128xi32, #tpu.memory_space<vmem>>)
      tpu.yield
    }) : () -> ()
    %dma_start3A_14 = arith.constant 0 : i32
    %dma_start3A_15 = arith.constant 0 : i32
    %dma_start3A_16 = tpu.memref_slice %arg3[%dma_start3A_14, %dma_start3A_15] : memref<100000x128xf32, #tpu.memory_space<hbm>> -> memref<100000x128xf32, #tpu.memory_space<hbm>>
    tpu.enqueue_indirect_dma source(%dma_start3A_16 : memref<100000x128xf32, #tpu.memory_space<hbm>>) target(%arg11 : memref<128x128xf32, #tpu.memory_space<vmem>>) offsets(%arg7 : memref<128xi32, #tpu.memory_space<vmem>>) semaphore(%arg15 : memref<!tpu.dma_semaphore, #tpu.memory_space<semaphore_mem>>)
    %add3A_17 = arith.constant 384 : i32
    %add3A_18 = arith.addi %mul3A_2, %add3A_17 : i32
    "tpu.region"() ({
      %run_scoped3A = tpu.sem_alloc : memref<!tpu.dma_semaphore, #tpu.memory_space<semaphore_mem>>
      %dma_start3A_27 = tpu.memref_slice %arg2[%add3A_18] : memref<819200xi32, #tpu.memory_space<hbm>> -> memref<128xi32, #tpu.memory_space<hbm>>
      %dma_start3A_28 = tpu.memref_slice %arg2[%add3A_18] : memref<819200xi32, #tpu.memory_space<hbm>> -> memref<128xi32, #tpu.memory_space<hbm>>
      tpu.enqueue_dma source(%dma_start3A_28 : memref<128xi32, #tpu.memory_space<hbm>>) target(%arg8 : memref<128xi32, #tpu.memory_space<vmem>>) target_semaphore(%run_scoped3A : memref<!tpu.dma_semaphore, #tpu.memory_space<semaphore_mem>>)
      %dma_wait3A = tpu.memref_slice %arg2[%add3A_18] : memref<819200xi32, #tpu.memory_space<hbm>> -> memref<128xi32, #tpu.memory_space<hbm>>
      %dma_wait3A_29 = tpu.memref_slice %arg2[%add3A_18] : memref<819200xi32, #tpu.memory_space<hbm>> -> memref<128xi32, #tpu.memory_space<hbm>>
      tpu.wait_dma2 semaphore(%run_scoped3A : memref<!tpu.dma_semaphore, #tpu.memory_space<semaphore_mem>>) src(%dma_wait3A_29 : memref<128xi32, #tpu.memory_space<hbm>>) dst(%arg8 : memref<128xi32, #tpu.memory_space<vmem>>)
      tpu.yield
    }) : () -> ()
    %dma_start3A_19 = arith.constant 0 : i32
    %dma_start3A_20 = arith.constant 0 : i32
    %dma_start3A_21 = tpu.memref_slice %arg3[%dma_start3A_19, %dma_start3A_20] : memref<100000x128xf32, #tpu.memory_space<hbm>> -> memref<100000x128xf32, #tpu.memory_space<hbm>>
    tpu.enqueue_indirect_dma source(%dma_start3A_21 : memref<100000x128xf32, #tpu.memory_space<hbm>>) target(%arg12 : memref<128x128xf32, #tpu.memory_space<vmem>>) offsets(%arg8 : memref<128xi32, #tpu.memory_space<vmem>>) semaphore(%arg16 : memref<!tpu.dma_semaphore, #tpu.memory_space<semaphore_mem>>)
    %scan3A = arith.constant 0 : i32
    %scan3A_22 = arith.constant 0 : i32
    %scan3A_23 = arith.constant 50 : i32
    %scan3A_24 = arith.addi %scan3A_22, %scan3A_23 : i32
    %scan3A_25 = arith.constant 1 : i32
    scf.for %scan3A_27 = %scan3A_22 to %scan3A_24 step %scan3A_25  : i32 {
      %mul3A_28 = arith.constant 4 : i32
      %mul3A_29 = arith.muli %scan3A_27, %mul3A_28 : i32
      %add3A_30 = arith.constant 0 : i32
      %add3A_31 = arith.addi %mul3A_29, %add3A_30 : i32
      %mul3A_32 = arith.constant 128 : i32
      %mul3A_33 = arith.muli %add3A_31, %mul3A_32 : i32
      %add3A_34 = arith.addi %mul3A_2, %mul3A_33 : i32
      %dma_wait3A = arith.constant 0 : i32
      %dma_wait3A_35 = arith.constant 0 : i32
      %dma_wait3A_36 = tpu.memref_slice %arg3[%dma_wait3A, %dma_wait3A_35] : memref<100000x128xf32, #tpu.memory_space<hbm>> -> memref<100000x128xf32, #tpu.memory_space<hbm>>
      tpu.wait_indirect_dma semaphore(%arg13 : memref<!tpu.dma_semaphore, #tpu.memory_space<semaphore_mem>>) src(%dma_wait3A_36 : memref<100000x128xf32, #tpu.memory_space<hbm>>) dst(%arg9 : memref<128x128xf32, #tpu.memory_space<vmem>>)
      %dma_start3A_37 = arith.constant 0 : i32
      %dma_start3A_38 = tpu.memref_slice %arg4[%add3A_34, %dma_start3A_37] : memref<819200x128xf32, #tpu.memory_space<hbm>> -> memref<128x128xf32, #tpu.memory_space<hbm>>
      %dma_start3A_39 = arith.constant 0 : i32
      %dma_start3A_40 = tpu.memref_slice %arg4[%add3A_34, %dma_start3A_39] : memref<819200x128xf32, #tpu.memory_space<hbm>> -> memref<128x128xf32, #tpu.memory_space<hbm>>
      tpu.enqueue_dma source(%arg9 : memref<128x128xf32, #tpu.memory_space<vmem>>) target(%dma_start3A_40 : memref<128x128xf32, #tpu.memory_space<hbm>>) target_semaphore(%arg17 : memref<!tpu.dma_semaphore, #tpu.memory_space<semaphore_mem>>)
      %add3A_41 = arith.constant 1 : i32
      %add3A_42 = arith.addi %mul3A_29, %add3A_41 : i32
      %mul3A_43 = arith.constant 128 : i32
      %mul3A_44 = arith.muli %add3A_42, %mul3A_43 : i32
      %add3A_45 = arith.addi %mul3A_2, %mul3A_44 : i32
      %dma_wait3A_46 = arith.constant 0 : i32
      %dma_wait3A_47 = arith.constant 0 : i32
      %dma_wait3A_48 = tpu.memref_slice %arg3[%dma_wait3A_46, %dma_wait3A_47] : memref<100000x128xf32, #tpu.memory_space<hbm>> -> memref<100000x128xf32, #tpu.memory_space<hbm>>
      tpu.wait_indirect_dma semaphore(%arg14 : memref<!tpu.dma_semaphore, #tpu.memory_space<semaphore_mem>>) src(%dma_wait3A_48 : memref<100000x128xf32, #tpu.memory_space<hbm>>) dst(%arg10 : memref<128x128xf32, #tpu.memory_space<vmem>>)
      %dma_start3A_49 = arith.constant 0 : i32
      %dma_start3A_50 = tpu.memref_slice %arg4[%add3A_45, %dma_start3A_49] : memref<819200x128xf32, #tpu.memory_space<hbm>> -> memref<128x128xf32, #tpu.memory_space<hbm>>
      %dma_start3A_51 = arith.constant 0 : i32
      %dma_start3A_52 = tpu.memref_slice %arg4[%add3A_45, %dma_start3A_51] : memref<819200x128xf32, #tpu.memory_space<hbm>> -> memref<128x128xf32, #tpu.memory_space<hbm>>
      tpu.enqueue_dma source(%arg10 : memref<128x128xf32, #tpu.memory_space<vmem>>) target(%dma_start3A_52 : memref<128x128xf32, #tpu.memory_space<hbm>>) target_semaphore(%arg18 : memref<!tpu.dma_semaphore, #tpu.memory_space<semaphore_mem>>)
      %add3A_53 = arith.constant 2 : i32
      %add3A_54 = arith.addi %mul3A_29, %add3A_53 : i32
      %mul3A_55 = arith.constant 128 : i32
      %mul3A_56 = arith.muli %add3A_54, %mul3A_55 : i32
      %add3A_57 = arith.addi %mul3A_2, %mul3A_56 : i32
      %dma_wait3A_58 = arith.constant 0 : i32
      %dma_wait3A_59 = arith.constant 0 : i32
      %dma_wait3A_60 = tpu.memref_slice %arg3[%dma_wait3A_58, %dma_wait3A_59] : memref<100000x128xf32, #tpu.memory_space<hbm>> -> memref<100000x128xf32, #tpu.memory_space<hbm>>
      tpu.wait_indirect_dma semaphore(%arg15 : memref<!tpu.dma_semaphore, #tpu.memory_space<semaphore_mem>>) src(%dma_wait3A_60 : memref<100000x128xf32, #tpu.memory_space<hbm>>) dst(%arg11 : memref<128x128xf32, #tpu.memory_space<vmem>>)
      %dma_start3A_61 = arith.constant 0 : i32
      %dma_start3A_62 = tpu.memref_slice %arg4[%add3A_57, %dma_start3A_61] : memref<819200x128xf32, #tpu.memory_space<hbm>> -> memref<128x128xf32, #tpu.memory_space<hbm>>
      %dma_start3A_63 = arith.constant 0 : i32
      %dma_start3A_64 = tpu.memref_slice %arg4[%add3A_57, %dma_start3A_63] : memref<819200x128xf32, #tpu.memory_space<hbm>> -> memref<128x128xf32, #tpu.memory_space<hbm>>
      tpu.enqueue_dma source(%arg11 : memref<128x128xf32, #tpu.memory_space<vmem>>) target(%dma_start3A_64 : memref<128x128xf32, #tpu.memory_space<hbm>>) target_semaphore(%arg19 : memref<!tpu.dma_semaphore, #tpu.memory_space<semaphore_mem>>)
      %add3A_65 = arith.constant 3 : i32
      %add3A_66 = arith.addi %mul3A_29, %add3A_65 : i32
      %mul3A_67 = arith.constant 128 : i32
      %mul3A_68 = arith.muli %add3A_66, %mul3A_67 : i32
      %add3A_69 = arith.addi %mul3A_2, %mul3A_68 : i32
      %dma_wait3A_70 = arith.constant 0 : i32
      %dma_wait3A_71 = arith.constant 0 : i32
      %dma_wait3A_72 = tpu.memref_slice %arg3[%dma_wait3A_70, %dma_wait3A_71] : memref<100000x128xf32, #tpu.memory_space<hbm>> -> memref<100000x128xf32, #tpu.memory_space<hbm>>
      tpu.wait_indirect_dma semaphore(%arg16 : memref<!tpu.dma_semaphore, #tpu.memory_space<semaphore_mem>>) src(%dma_wait3A_72 : memref<100000x128xf32, #tpu.memory_space<hbm>>) dst(%arg12 : memref<128x128xf32, #tpu.memory_space<vmem>>)
      %dma_start3A_73 = arith.constant 0 : i32
      %dma_start3A_74 = tpu.memref_slice %arg4[%add3A_69, %dma_start3A_73] : memref<819200x128xf32, #tpu.memory_space<hbm>> -> memref<128x128xf32, #tpu.memory_space<hbm>>
      %dma_start3A_75 = arith.constant 0 : i32
      %dma_start3A_76 = tpu.memref_slice %arg4[%add3A_69, %dma_start3A_75] : memref<819200x128xf32, #tpu.memory_space<hbm>> -> memref<128x128xf32, #tpu.memory_space<hbm>>
      tpu.enqueue_dma source(%arg12 : memref<128x128xf32, #tpu.memory_space<vmem>>) target(%dma_start3A_76 : memref<128x128xf32, #tpu.memory_space<hbm>>) target_semaphore(%arg20 : memref<!tpu.dma_semaphore, #tpu.memory_space<semaphore_mem>>)
      %add3A_77 = arith.constant 0 : i32
      %add3A_78 = arith.addi %mul3A_29, %add3A_77 : i32
      %mul3A_79 = arith.constant 128 : i32
      %mul3A_80 = arith.muli %add3A_78, %mul3A_79 : i32
      %add3A_81 = arith.addi %mul3A_2, %mul3A_80 : i32
      %dma_wait3A_82 = arith.constant 0 : i32
      %dma_wait3A_83 = tpu.memref_slice %arg4[%add3A_81, %dma_wait3A_82] : memref<819200x128xf32, #tpu.memory_space<hbm>> -> memref<128x128xf32, #tpu.memory_space<hbm>>
      %dma_wait3A_84 = arith.constant 0 : i32
      %dma_wait3A_85 = tpu.memref_slice %arg4[%add3A_81, %dma_wait3A_84] : memref<819200x128xf32, #tpu.memory_space<hbm>> -> memref<128x128xf32, #tpu.memory_space<hbm>>
      tpu.wait_dma2 semaphore(%arg17 : memref<!tpu.dma_semaphore, #tpu.memory_space<semaphore_mem>>) src(%arg9 : memref<128x128xf32, #tpu.memory_space<vmem>>) dst(%dma_wait3A_85 : memref<128x128xf32, #tpu.memory_space<hbm>>)
      %add3A_86 = arith.constant 4 : i32
      %add3A_87 = arith.addi %add3A_78, %add3A_86 : i32
      %lt3A = arith.constant 200 : i32
      %lt3A_88 = arith.cmpi slt, %add3A_87, %lt3A : i32
      %convert_element_type3A = arith.extui %lt3A_88 : i1 to i32
      %cond3A = arith.constant 0 : i32
      %cond3A_89 = arith.cmpi ne, %convert_element_type3A, %cond3A : i32
      scf.if %cond3A_89 {
        %add3A_138 = arith.constant 4 : i32
        %add3A_139 = arith.addi %add3A_78, %add3A_138 : i32
        %mul3A_140 = arith.constant 128 : i32
        %mul3A_141 = arith.muli %add3A_139, %mul3A_140 : i32
        %add3A_142 = arith.addi %mul3A_2, %mul3A_141 : i32
        "tpu.region"() ({
          %run_scoped3A = tpu.sem_alloc : memref<!tpu.dma_semaphore, #tpu.memory_space<semaphore_mem>>
          %dma_start3A_146 = tpu.memref_slice %arg2[%add3A_142] : memref<819200xi32, #tpu.memory_space<hbm>> -> memref<128xi32, #tpu.memory_space<hbm>>
          %dma_start3A_147 = tpu.memref_slice %arg2[%add3A_142] : memref<819200xi32, #tpu.memory_space<hbm>> -> memref<128xi32, #tpu.memory_space<hbm>>
          tpu.enqueue_dma source(%dma_start3A_147 : memref<128xi32, #tpu.memory_space<hbm>>) target(%arg5 : memref<128xi32, #tpu.memory_space<vmem>>) target_semaphore(%run_scoped3A : memref<!tpu.dma_semaphore, #tpu.memory_space<semaphore_mem>>)
          %dma_wait3A_148 = tpu.memref_slice %arg2[%add3A_142] : memref<819200xi32, #tpu.memory_space<hbm>> -> memref<128xi32, #tpu.memory_space<hbm>>
          %dma_wait3A_149 = tpu.memref_slice %arg2[%add3A_142] : memref<819200xi32, #tpu.memory_space<hbm>> -> memref<128xi32, #tpu.memory_space<hbm>>
          tpu.wait_dma2 semaphore(%run_scoped3A : memref<!tpu.dma_semaphore, #tpu.memory_space<semaphore_mem>>) src(%dma_wait3A_149 : memref<128xi32, #tpu.memory_space<hbm>>) dst(%arg5 : memref<128xi32, #tpu.memory_space<vmem>>)
          tpu.yield
        }) : () -> ()
        %dma_start3A_143 = arith.constant 0 : i32
        %dma_start3A_144 = arith.constant 0 : i32
        %dma_start3A_145 = tpu.memref_slice %arg3[%dma_start3A_143, %dma_start3A_144] : memref<100000x128xf32, #tpu.memory_space<hbm>> -> memref<100000x128xf32, #tpu.memory_space<hbm>>
        tpu.enqueue_indirect_dma source(%dma_start3A_145 : memref<100000x128xf32, #tpu.memory_space<hbm>>) target(%arg9 : memref<128x128xf32, #tpu.memory_space<vmem>>) offsets(%arg5 : memref<128xi32, #tpu.memory_space<vmem>>) semaphore(%arg13 : memref<!tpu.dma_semaphore, #tpu.memory_space<semaphore_mem>>)
      } else {
      }
      %add3A_90 = arith.constant 1 : i32
      %add3A_91 = arith.addi %mul3A_29, %add3A_90 : i32
      %mul3A_92 = arith.constant 128 : i32
      %mul3A_93 = arith.muli %add3A_91, %mul3A_92 : i32
      %add3A_94 = arith.addi %mul3A_2, %mul3A_93 : i32
      %dma_wait3A_95 = arith.constant 0 : i32
      %dma_wait3A_96 = tpu.memref_slice %arg4[%add3A_94, %dma_wait3A_95] : memref<819200x128xf32, #tpu.memory_space<hbm>> -> memref<128x128xf32, #tpu.memory_space<hbm>>
      %dma_wait3A_97 = arith.constant 0 : i32
      %dma_wait3A_98 = tpu.memref_slice %arg4[%add3A_94, %dma_wait3A_97] : memref<819200x128xf32, #tpu.memory_space<hbm>> -> memref<128x128xf32, #tpu.memory_space<hbm>>
      tpu.wait_dma2 semaphore(%arg18 : memref<!tpu.dma_semaphore, #tpu.memory_space<semaphore_mem>>) src(%arg10 : memref<128x128xf32, #tpu.memory_space<vmem>>) dst(%dma_wait3A_98 : memref<128x128xf32, #tpu.memory_space<hbm>>)
      %add3A_99 = arith.constant 4 : i32
      %add3A_100 = arith.addi %add3A_91, %add3A_99 : i32
      %lt3A_101 = arith.constant 200 : i32
      %lt3A_102 = arith.cmpi slt, %add3A_100, %lt3A_101 : i32
      %convert_element_type3A_103 = arith.extui %lt3A_102 : i1 to i32
      %cond3A_104 = arith.constant 0 : i32
      %cond3A_105 = arith.cmpi ne, %convert_element_type3A_103, %cond3A_104 : i32
      scf.if %cond3A_105 {
        %add3A_138 = arith.constant 4 : i32
        %add3A_139 = arith.addi %add3A_91, %add3A_138 : i32
        %mul3A_140 = arith.constant 128 : i32
        %mul3A_141 = arith.muli %add3A_139, %mul3A_140 : i32
        %add3A_142 = arith.addi %mul3A_2, %mul3A_141 : i32
        "tpu.region"() ({
          %run_scoped3A = tpu.sem_alloc : memref<!tpu.dma_semaphore, #tpu.memory_space<semaphore_mem>>
          %dma_start3A_146 = tpu.memref_slice %arg2[%add3A_142] : memref<819200xi32, #tpu.memory_space<hbm>> -> memref<128xi32, #tpu.memory_space<hbm>>
          %dma_start3A_147 = tpu.memref_slice %arg2[%add3A_142] : memref<819200xi32, #tpu.memory_space<hbm>> -> memref<128xi32, #tpu.memory_space<hbm>>
          tpu.enqueue_dma source(%dma_start3A_147 : memref<128xi32, #tpu.memory_space<hbm>>) target(%arg6 : memref<128xi32, #tpu.memory_space<vmem>>) target_semaphore(%run_scoped3A : memref<!tpu.dma_semaphore, #tpu.memory_space<semaphore_mem>>)
          %dma_wait3A_148 = tpu.memref_slice %arg2[%add3A_142] : memref<819200xi32, #tpu.memory_space<hbm>> -> memref<128xi32, #tpu.memory_space<hbm>>
          %dma_wait3A_149 = tpu.memref_slice %arg2[%add3A_142] : memref<819200xi32, #tpu.memory_space<hbm>> -> memref<128xi32, #tpu.memory_space<hbm>>
          tpu.wait_dma2 semaphore(%run_scoped3A : memref<!tpu.dma_semaphore, #tpu.memory_space<semaphore_mem>>) src(%dma_wait3A_149 : memref<128xi32, #tpu.memory_space<hbm>>) dst(%arg6 : memref<128xi32, #tpu.memory_space<vmem>>)
          tpu.yield
        }) : () -> ()
        %dma_start3A_143 = arith.constant 0 : i32
        %dma_start3A_144 = arith.constant 0 : i32
        %dma_start3A_145 = tpu.memref_slice %arg3[%dma_start3A_143, %dma_start3A_144] : memref<100000x128xf32, #tpu.memory_space<hbm>> -> memref<100000x128xf32, #tpu.memory_space<hbm>>
        tpu.enqueue_indirect_dma source(%dma_start3A_145 : memref<100000x128xf32, #tpu.memory_space<hbm>>) target(%arg10 : memref<128x128xf32, #tpu.memory_space<vmem>>) offsets(%arg6 : memref<128xi32, #tpu.memory_space<vmem>>) semaphore(%arg14 : memref<!tpu.dma_semaphore, #tpu.memory_space<semaphore_mem>>)
      } else {
      }
      %add3A_106 = arith.constant 2 : i32
      %add3A_107 = arith.addi %mul3A_29, %add3A_106 : i32
      %mul3A_108 = arith.constant 128 : i32
      %mul3A_109 = arith.muli %add3A_107, %mul3A_108 : i32
      %add3A_110 = arith.addi %mul3A_2, %mul3A_109 : i32
      %dma_wait3A_111 = arith.constant 0 : i32
      %dma_wait3A_112 = tpu.memref_slice %arg4[%add3A_110, %dma_wait3A_111] : memref<819200x128xf32, #tpu.memory_space<hbm>> -> memref<128x128xf32, #tpu.memory_space<hbm>>
      %dma_wait3A_113 = arith.constant 0 : i32
      %dma_wait3A_114 = tpu.memref_slice %arg4[%add3A_110, %dma_wait3A_113] : memref<819200x128xf32, #tpu.memory_space<hbm>> -> memref<128x128xf32, #tpu.memory_space<hbm>>
      tpu.wait_dma2 semaphore(%arg19 : memref<!tpu.dma_semaphore, #tpu.memory_space<semaphore_mem>>) src(%arg11 : memref<128x128xf32, #tpu.memory_space<vmem>>) dst(%dma_wait3A_114 : memref<128x128xf32, #tpu.memory_space<hbm>>)
      %add3A_115 = arith.constant 4 : i32
      %add3A_116 = arith.addi %add3A_107, %add3A_115 : i32
      %lt3A_117 = arith.constant 200 : i32
      %lt3A_118 = arith.cmpi slt, %add3A_116, %lt3A_117 : i32
      %convert_element_type3A_119 = arith.extui %lt3A_118 : i1 to i32
      %cond3A_120 = arith.constant 0 : i32
      %cond3A_121 = arith.cmpi ne, %convert_element_type3A_119, %cond3A_120 : i32
      scf.if %cond3A_121 {
        %add3A_138 = arith.constant 4 : i32
        %add3A_139 = arith.addi %add3A_107, %add3A_138 : i32
        %mul3A_140 = arith.constant 128 : i32
        %mul3A_141 = arith.muli %add3A_139, %mul3A_140 : i32
        %add3A_142 = arith.addi %mul3A_2, %mul3A_141 : i32
        "tpu.region"() ({
          %run_scoped3A = tpu.sem_alloc : memref<!tpu.dma_semaphore, #tpu.memory_space<semaphore_mem>>
          %dma_start3A_146 = tpu.memref_slice %arg2[%add3A_142] : memref<819200xi32, #tpu.memory_space<hbm>> -> memref<128xi32, #tpu.memory_space<hbm>>
          %dma_start3A_147 = tpu.memref_slice %arg2[%add3A_142] : memref<819200xi32, #tpu.memory_space<hbm>> -> memref<128xi32, #tpu.memory_space<hbm>>
          tpu.enqueue_dma source(%dma_start3A_147 : memref<128xi32, #tpu.memory_space<hbm>>) target(%arg7 : memref<128xi32, #tpu.memory_space<vmem>>) target_semaphore(%run_scoped3A : memref<!tpu.dma_semaphore, #tpu.memory_space<semaphore_mem>>)
          %dma_wait3A_148 = tpu.memref_slice %arg2[%add3A_142] : memref<819200xi32, #tpu.memory_space<hbm>> -> memref<128xi32, #tpu.memory_space<hbm>>
          %dma_wait3A_149 = tpu.memref_slice %arg2[%add3A_142] : memref<819200xi32, #tpu.memory_space<hbm>> -> memref<128xi32, #tpu.memory_space<hbm>>
          tpu.wait_dma2 semaphore(%run_scoped3A : memref<!tpu.dma_semaphore, #tpu.memory_space<semaphore_mem>>) src(%dma_wait3A_149 : memref<128xi32, #tpu.memory_space<hbm>>) dst(%arg7 : memref<128xi32, #tpu.memory_space<vmem>>)
          tpu.yield
        }) : () -> ()
        %dma_start3A_143 = arith.constant 0 : i32
        %dma_start3A_144 = arith.constant 0 : i32
        %dma_start3A_145 = tpu.memref_slice %arg3[%dma_start3A_143, %dma_start3A_144] : memref<100000x128xf32, #tpu.memory_space<hbm>> -> memref<100000x128xf32, #tpu.memory_space<hbm>>
        tpu.enqueue_indirect_dma source(%dma_start3A_145 : memref<100000x128xf32, #tpu.memory_space<hbm>>) target(%arg11 : memref<128x128xf32, #tpu.memory_space<vmem>>) offsets(%arg7 : memref<128xi32, #tpu.memory_space<vmem>>) semaphore(%arg15 : memref<!tpu.dma_semaphore, #tpu.memory_space<semaphore_mem>>)
      } else {
      }
      %add3A_122 = arith.constant 3 : i32
      %add3A_123 = arith.addi %mul3A_29, %add3A_122 : i32
      %mul3A_124 = arith.constant 128 : i32
      %mul3A_125 = arith.muli %add3A_123, %mul3A_124 : i32
      %add3A_126 = arith.addi %mul3A_2, %mul3A_125 : i32
      %dma_wait3A_127 = arith.constant 0 : i32
      %dma_wait3A_128 = tpu.memref_slice %arg4[%add3A_126, %dma_wait3A_127] : memref<819200x128xf32, #tpu.memory_space<hbm>> -> memref<128x128xf32, #tpu.memory_space<hbm>>
      %dma_wait3A_129 = arith.constant 0 : i32
      %dma_wait3A_130 = tpu.memref_slice %arg4[%add3A_126, %dma_wait3A_129] : memref<819200x128xf32, #tpu.memory_space<hbm>> -> memref<128x128xf32, #tpu.memory_space<hbm>>
      tpu.wait_dma2 semaphore(%arg20 : memref<!tpu.dma_semaphore, #tpu.memory_space<semaphore_mem>>) src(%arg12 : memref<128x128xf32, #tpu.memory_space<vmem>>) dst(%dma_wait3A_130 : memref<128x128xf32, #tpu.memory_space<hbm>>)
      %add3A_131 = arith.constant 4 : i32
      %add3A_132 = arith.addi %add3A_123, %add3A_131 : i32
      %lt3A_133 = arith.constant 200 : i32
      %lt3A_134 = arith.cmpi slt, %add3A_132, %lt3A_133 : i32
      %convert_element_type3A_135 = arith.extui %lt3A_134 : i1 to i32
      %cond3A_136 = arith.constant 0 : i32
      %cond3A_137 = arith.cmpi ne, %convert_element_type3A_135, %cond3A_136 : i32
      scf.if %cond3A_137 {
        %add3A_138 = arith.constant 4 : i32
        %add3A_139 = arith.addi %add3A_123, %add3A_138 : i32
        %mul3A_140 = arith.constant 128 : i32
        %mul3A_141 = arith.muli %add3A_139, %mul3A_140 : i32
        %add3A_142 = arith.addi %mul3A_2, %mul3A_141 : i32
        "tpu.region"() ({
          %run_scoped3A = tpu.sem_alloc : memref<!tpu.dma_semaphore, #tpu.memory_space<semaphore_mem>>
          %dma_start3A_146 = tpu.memref_slice %arg2[%add3A_142] : memref<819200xi32, #tpu.memory_space<hbm>> -> memref<128xi32, #tpu.memory_space<hbm>>
          %dma_start3A_147 = tpu.memref_slice %arg2[%add3A_142] : memref<819200xi32, #tpu.memory_space<hbm>> -> memref<128xi32, #tpu.memory_space<hbm>>
          tpu.enqueue_dma source(%dma_start3A_147 : memref<128xi32, #tpu.memory_space<hbm>>) target(%arg8 : memref<128xi32, #tpu.memory_space<vmem>>) target_semaphore(%run_scoped3A : memref<!tpu.dma_semaphore, #tpu.memory_space<semaphore_mem>>)
          %dma_wait3A_148 = tpu.memref_slice %arg2[%add3A_142] : memref<819200xi32, #tpu.memory_space<hbm>> -> memref<128xi32, #tpu.memory_space<hbm>>
          %dma_wait3A_149 = tpu.memref_slice %arg2[%add3A_142] : memref<819200xi32, #tpu.memory_space<hbm>> -> memref<128xi32, #tpu.memory_space<hbm>>
          tpu.wait_dma2 semaphore(%run_scoped3A : memref<!tpu.dma_semaphore, #tpu.memory_space<semaphore_mem>>) src(%dma_wait3A_149 : memref<128xi32, #tpu.memory_space<hbm>>) dst(%arg8 : memref<128xi32, #tpu.memory_space<vmem>>)
          tpu.yield
        }) : () -> ()
        %dma_start3A_143 = arith.constant 0 : i32
        %dma_start3A_144 = arith.constant 0 : i32
        %dma_start3A_145 = tpu.memref_slice %arg3[%dma_start3A_143, %dma_start3A_144] : memref<100000x128xf32, #tpu.memory_space<hbm>> -> memref<100000x128xf32, #tpu.memory_space<hbm>>
        tpu.enqueue_indirect_dma source(%dma_start3A_145 : memref<100000x128xf32, #tpu.memory_space<hbm>>) target(%arg12 : memref<128x128xf32, #tpu.memory_space<vmem>>) offsets(%arg8 : memref<128xi32, #tpu.memory_space<vmem>>) semaphore(%arg16 : memref<!tpu.dma_semaphore, #tpu.memory_space<semaphore_mem>>)
      } else {
      }
    }
    %scan3A_26 = arith.constant 50 : i32
    return
  }
}

</mosaic_0001>

<sc_bundles>
// kernel: kernel.3.cloned.1.call-start
scs
__scs_entry_jumppad:
0x0: {  	(pc) =	sbr.rel $0x88, $3  }
0x1: {  	(tag) =	ssettag $0x0;
	lr =	simm.s32 $0x1  }
0x2: {  	[smem:$0x3F9F] =	sst lr;
	_ =	strace $0xD0000000  }
0x3: {  	_ = 	snop  }
0x4: {  	_ = 	snop  }
0x5: {  	_ = 	snop  }
0x6: {  	_ = 	snop  }
0x7: {  	_ = 	snop  }
__scs_overlays_trampoline_lowered:
0x8: {  	[smem:$0x3FAE] =	sst s0  }
0x9: {  	[smem:$0x3FAF] =	sst s1  }
0xa: {  	[smem:$0x3FB0] =	sst s2  }
0xb: {  	[smem:$0x3FB1] =	sst s3  }
0xc: {  	[smem:$0x3FB2] =	sst s4  }
0xd: {  	[smem:$0x3FB3] =	sst s5  }
0xe: {  	[smem:$0x3FB4] =	sst s6  }
0xf: {  	[smem:$0x3FB5] =	sst s7  }
0x10: {  	[smem:$0x3FB6] =	sst s8  }
0x11: {  	[smem:$0x3FB7] =	sst s9;
	s0 =	simm.s32 @!p0 $0x0  }
0x12: {  	s1 =	sld [smem:$0x3F9D];
	s0 =	simm.s32 @p0 $0x1  }
0x13: {  	[smem:$0x3FB8] =	sst s0;
	s0 =	simm.s32 @!p1 $0x0  }
0x14: {  	s2 =	sld [smem:$0x3F9C];
	s0 =	simm.s32 @p1 $0x1  }
0x15: {  	[smem:$0x3FB9] =	sst s0;
	s0 =	simm.s32 @!p2 $0x0  }
0x16: {  	s3 =	sld [smem:$0x3FDB];
	s0 =	simm.s32 @p2 $0x1  }
0x17: {  	s4 =	simm.s32 $0x1BF5;
	[smem:$0x3FBB] =	sst s0  }
0x18: {  	s0 =	sld [smem:$0x3F9E];
	_ =	swait.ge [sflag:s4], $0x0  }
0x19: {  	s7 =	sld [smem:$0x3F9F]  }
0x1a: {  	s8 =	sadd.s32 $0xFFFFE003, lr  }
0x1b: {  	s9 =	sadd.s32 $0xFFFFFEF7, lr;
	s5 =	simm.s32 $0xFFFFFFFF;
	p2 =	slt.u32 s8, $0xFFFFF086  }
0x1c: {  	p1 =	slt.u32 s9, $0xF7A;
	s5 =	simm.s32 @!p2 $0x0  }
0x1d: {  	s5 =	simm.s32 @p1 $0x1;
	p0 =	seq.s32 s7, s2  }
0x1e: {  	s7 =	smul.u32 @!p0 $0xF7A, s2;
	p2 =	seq.s32 @!p0 s5, $0x0  }
0x1f: {  	s9 =	smul.u32 $0xF7A, s1;
	s8 =	simm.s32 @!p0 $0x1BF5;
	p2 =	por !p2, p0  }
0x20: {  	[sflag:s8] =	ssyncset.s32 @!p0 $0xFFFFF086;
	s6 =	sadd.s32 @!p0 s3, s7;
	s7 =	simm.s32 @!p0 $0x108  }
0x21: {  	s3 =	sadd.s32 s3, s9;
	s6 =	sadd.s32 @!p0 $0x88, s6;
	s7 =	simm.s32 @p2 $0x1082  }
0x22: {  	[simem:s7], [sflag:s8] =	dma.local @!p0 [hbm:s6], $0xF7A  }
0x23: {  	s9 =	sor.u32 $0xD0000000, s2;
	s6 =	simm.s32 $0x108;
	_ =	swait.ge @!p0 [sflag:s8], $0x0  }
0x24: {  	s3 =	sadd.s32 $0x88, s3;
	s6 =	simm.s32 @!p1 $0x1082;
	[sflag:s4] =	ssyncset.s32 $0xFFFFF086  }
0x25: {  	[simem:s6], [sflag:s4] =	dma.local [hbm:s3], $0xF7A  }
0x26: {  	[smem:$0x3F9F] =	sst s1;
	(tag) =	ssettag s2;
	_ =	strace s9  }
0x27: {  	s1 =	sld [smem:$0x3FAF]  }
0x28: {  	s2 =	sld [smem:$0x3FB0]  }
0x29: {  	s4 =	sld [smem:$0x3FB2]  }
0x2a: {  	p0 =	seq.s32 s5, $0x0;
	s5 =	sld [smem:$0x3FB3]  }
0x2b: {  	s6 =	sld [smem:$0x3FB4]  }
0x2c: {  	s7 =	sld [smem:$0x3FB5]  }
0x2d: {  	s3 =	simm.s32 $0x108;
	s8 =	sld [smem:$0x3FB6]  }
0x2e: {  	s3 =	simm.s32 @!p0 $0x1082;
	s9 =	sld [smem:$0x3FB7]  }
0x2f: {  	lr =	sadd.s32 s0, s3;
	s0 =	sld [smem:$0x3FAE]  }
0x30: {  	s3 =	sld [smem:$0x3FB1]  }
0x31: {  	[smem:$0x3FBA] =	sst s10  }
0x32: {  	s10 =	sld [smem:$0x3FB8];
	_ =	sdelay $0x3  }
0x33: {  	p0 =	seq.s32 s10, $0x1;
	s10 =	sld [smem:$0x3FBA];
	_ =	sdelay $0x3  }
0x34: {  	[smem:$0x3FBA] =	sst s10  }
0x35: {  	s10 =	sld [smem:$0x3FB9];
	_ =	sdelay $0x3  }
0x36: {  	p1 =	seq.s32 s10, $0x1;
	s10 =	sld [smem:$0x3FBA];
	_ =	sdelay $0x3  }
0x37: {  	[smem:$0x3FBA] =	sst s10  }
0x38: {  	s10 =	sld [smem:$0x3FBB]  }
0x39: {  	_ = 	snop;
	(pc) =	sbr.ind lr, $3  }
0x3a: {  	_ = 	snop  }
0x3b: {  	_ = 	snop  }
0x3c: {  	p2 =	seq.s32 s10, $0x1;
	s10 =	sld [smem:$0x3FBA]  }
0x3d: {  	_ =	shalt  }
0x3e: {  	_ =	shalt  }
0x3f: {  	_ =	shalt  }
0x40: {  	_ =	shalt  }
0x41: {  	_ =	shalt  }
0x42: {  	_ =	shalt  }
0x43: {  	_ =	shalt  }
0x44: {  	_ =	shalt  }
0x45: {  	_ =	shalt  }
0x46: {  	_ =	shalt  }
0x47: {  	_ =	shalt  }
0x48: {  	_ =	shalt  }
0x49: {  	_ =	shalt  }
0x4a: {  	_ =	shalt  }
0x4b: {  	_ =	shalt  }
0x4c: {  	_ =	shalt  }
0x4d: {  	_ =	shalt  }
0x4e: {  	_ =	shalt  }
0x4f: {  	_ =	shalt  }
0x50: {  	_ =	shalt  }
0x51: {  	_ =	shalt  }
0x52: {  	_ =	shalt  }
0x53: {  	_ =	shalt  }
0x54: {  	_ =	shalt  }
0x55: {  	_ =	shalt  }
0x56: {  	_ =	shalt  }
0x57: {  	_ =	shalt  }
0x58: {  	_ =	shalt  }
0x59: {  	_ =	shalt  }
0x5a: {  	_ =	shalt  }
0x5b: {  	_ =	shalt  }
0x5c: {  	_ =	shalt  }
0x5d: {  	_ =	shalt  }
0x5e: {  	_ =	shalt  }
0x5f: {  	_ =	shalt  }
0x60: {  	_ =	shalt  }
0x61: {  	_ =	shalt  }
0x62: {  	_ =	shalt  }
0x63: {  	_ =	shalt  }
0x64: {  	_ =	shalt  }
0x65: {  	_ =	shalt  }
0x66: {  	_ =	shalt  }
0x67: {  	_ =	shalt  }
0x68: {  	_ =	shalt  }
0x69: {  	_ =	shalt  }
0x6a: {  	_ =	shalt  }
0x6b: {  	_ =	shalt  }
0x6c: {  	_ =	shalt  }
0x6d: {  	_ =	shalt  }
0x6e: {  	_ =	shalt  }
0x6f: {  	_ =	shalt  }
0x70: {  	_ =	shalt  }
0x71: {  	_ =	shalt  }
0x72: {  	_ =	shalt  }
0x73: {  	_ =	shalt  }
0x74: {  	_ =	shalt  }
0x75: {  	_ =	shalt  }
0x76: {  	_ =	shalt  }
0x77: {  	_ =	shalt  }
0x78: {  	_ =	shalt  }
0x79: {  	_ =	shalt  }
0x7a: {  	_ =	shalt  }
0x7b: {  	_ =	shalt  }
0x7c: {  	_ =	shalt  }
0x7d: {  	_ =	shalt  }
0x7e: {  	_ =	shalt  }
0x7f: {  	_ =	shalt  }
0x80: {  	_ =	shalt  }
0x81: {  	_ =	shalt  }
0x82: {  	_ =	shalt  }
0x83: {  	_ =	shalt  }
0x84: {  	_ =	shalt  }
0x85: {  	_ =	shalt  }
0x86: {  	_ =	shalt  }
0x87: {  	_ =	shalt  }
.Lfunc_end0:
.L_simem_size_0:
called_computation_lowered:
.L_overlay_start_0:
0x88: {  	s2 =	sld [smem:$0x3FD9]  }
0x89: {  	s3 =	sld [smem:$0x3FFE];
	_ =	sdelay $0x1  }
0x8a: {  	s1 =	srdreg.scid  }
0x8b: {  	s0 =	sand.u32 $0x1, s1  }
0x8c: {  	s17 =	sshll.u32 s0, $0xA;
	s2 =	sadd.s32 s3, s2  }
0x8d: {  	s2 =	sadd.s32 s2, s17  }
0x8e: {  	[smem:$0x3FC6] =	sst s2  }
0x8f: {  	_ = 	snop  }
0x90: {  	s2 =	sld [smem:$0x3FC8]  }
0x91: {  	s18 =	sld [smem:$0x3FD0];
	(tm) =	ssettm $0x1  }
0x92: {  	s4 =	sld [smem:$0x3FFB];
	_ =	sdelay $0x3  }
0x93: {  	_ =	strace s4  }
0x94: {  	s4 =	sld [smem:$0x3FFC];
	_ =	sdelay $0x3  }
0x95: {  	_ =	strace s4  }
0x96: {  	s4 =	sld [smem:$0x3FFD];
	_ =	sdelay $0x3  }
0x97: {  	_ =	strace s4  }
0x98: {  	_ =	strace $0x8FFFFFFF  }
0x99: {  	s19 =	sld [smem:$0x3FDB];
	_ =	sdelay $0x1  }
0x9a: {  	s5 =	simm.s32 $_scs_section_size  }
0x9b: {  	s6 =	simm.s32 $_size__tile_overlayer_lowered;
	s7 =	simm.s32 $_tile_overlayer_lowered  }
0x9c: {  	s22 =	simm.s32 $0x1BFF;
	s21 =	sshll.u32 s7, $0x1;
	s4 =	sadd.s32 s5, s19  }
0x9d: {  	s8 =	simm.s32 $0x0;
	s20 =	sshll.u32 s6, $0x1;
	s6 =	sadd.s32 s21, s4  }
0x9e: {  	[timem:s8], [sflag:s22] =	dma.local [hbm:s6], s20  }
0x9f: {  	_ =	swait.ge [sflag:s22], s20  }
0xa0: {  	s5 =	ssub.s32 $0x0, s20;
	[sflag:s22] =	ssyncset.done $0x0  }
0xa1: {  	[sflag:s22] =	ssyncadd.s32 s5;
	_ =	sdelay $0x1  }
0xa2: {  	s23 =	simm.s32 $0x1B8B  }
0xa3: {  	_ =	swait.ge [sflag:s23], $0x1  }
0xa4: {  	[sflag:s23] =	ssyncset.done $0x0  }
0xa5: {  	s25 =	simm.s32 $0x1B8E;
	s24 =	sld [smem:$0x3FFE];
	[sflag:s23] =	ssyncadd.s32 $0xFFFFFFFF  }
0xa6: {  	s26 =	simm.s32 $execute0_lowered;
	[smem:$0x3FD2] =	sst s25  }
0xa7: {  	s6 =	sshll.u32 s26, $0x1;
	_ =	strace $0x80000046;
	[dreg:$0x1] =	wrdreg $0xFFFFFFFF  }
0xa8: {  	s28 =	simm.s32 $_size_execute0_lowered;
	s4 =	sadd.s32 s4, s6;
	[dreg:$0x0] =	wrdreg $0x0  }
0xa9: {  	s6 =	sshll.u32 s28, $0x1;
	[dreg:$0x2] =	wrdreg s4  }
0xaa: {  	[dreg:$0x3] =	wrdreg s6  }
0xab: {  	[dreg:$0x4] =	wrdreg $0xC0  }
0xac: {  	_ =	task [dreg:s8], $0x5FFFF  }
0xad: {  	[dreg:$0x1] =	wrdreg $0xFFFFFFFF  }
0xae: {  	[dreg:$0x0] =	wrdreg $0x60  }
0xaf: {  	[dreg:$0x2] =	wrdreg s24  }
0xb0: {  	[dreg:$0x3] =	wrdreg s2  }
0xb1: {  	[dreg:$0x4] =	wrdreg s18  }
0xb2: {  	[dreg:$0x5] =	wrdreg $0x9  }
0xb3: {  	_ =	task.clear_ibuf [dreg:s8], $0x6FFFF;
	_ =	strace $0x90000046  }
0xb4: {  	s29 =	simm.s32 $0x9;
	_ =	strace $0x80000048  }
0xb5: {  	_ =	swait.ge [sflag:s29], $0x1  }
0xb6: {  	[sflag:s29] =	ssyncadd.s32 $0xFFFFFFFF  }
0xb7: {  	_ =	strace $0x90000048  }
0xb8: {  	_ =	sfence  }
0xb9: {  	s30 =	sld [smem:$0x0];
	_ =	sdelay $0x2  }
0xba: {  	s31 =	sshll.u32 s1, $0xD;
	s1 =	sshrl.u32 s1, $0x2  }
0xbb: {  	s3 =	sand.u32 $0x4000, s31;
	s1 =	sadd.s32 s1, s30  }
0xbc: {  	s0 =	sor.u32 s3, s0;
	s1 =	sshll.u32 s1, $0x11  }
0xbd: {  	s0 =	sor.u32 s1, s0  }
0xbe: {  	s0 =	sadd.s32 $0x8F2B, s0  }
0xbf: {  	[sflag:s0] =	ssyncadd.remote.s32 $0x1  }
0xc0: {  	_ =	sfence.sel $0xFFFF  }
0xc1: {  	[dreg:$0x0] =	wrdreg $0xFFFFFFFF;
	(pc) =	sbr.abs _section_cstart, $3  }
0xc2: {  	[dreg:$0x1] =	wrdreg $0xFFFFFFFF  }
0xc3: {  	_ =	task.clear_ibuf [dreg:s8], $0x2FFFF;
	_ =	strace $0x9FFFFFFF  }
0xc4: {  	(tm) =	ssettm $0x7FFFFFFF  }
0xc5: {  	_ =	shalt  }
tec
execute0_lowered:
.L_overlay_start_1:
0x0: {  	(tag) =	ssettag $0x1  }
0x1: {  	s0 =	rddreg [dreg:$0x0]  }
0x2: {  	s2 =	rddreg [dreg:$0x1]  }
0x3: {  	s8 =	rddreg [dreg:$0x2];
	s1 =	srdreg.scid  }
0x4: {  	s11 =	stileid.u32;
	s3 =	simm.s32 $0x0;
	s15 =	simm.s32 $0x9  }
0x5: {  	s16 =	simm.s32 $0x80;
	s17 =	simm.s32 $0x200;
	s6 =	smul.u32 $0x640000, s11  }
0x6: {  	s28 =	simm.s32 $0x5;
	s29 =	simm.s32 $0x6;
	s9 =	smul.u32 $0xC800, s11  }
0x7: {  	s1 =	sand.u32 $0x1, s1;
	s4 =	sshll.u32 s11, $0x1;
	s11 =	smul.u32 $0xC8000, s11  }
0x8: {  	s30 =	simm.s32 $0x7;
	s31 =	simm.s32 $0x8;
	s18 =	smul.u32 $0x6400, s1  }
0x9: {  	[smem:$0x7FF] =	sst s3;
	s0 =	sadd.s32 $0x400, s0;
	s20 =	smul.u32 $0x320000, s1  }
0xa: {  	s4 =	sor.u32 s1, s4;
	s5 =	ssub.s32 $0x2, s1;
	s13 =	smul.u32 $0x64000, s1  }
0xb: {  	_ =	strace $0x80000047;
	s4 =	smul.u32 $0x6400, s4;
	s7 =	sshrl.u32 s5, $0x1  }
0xc: {  	s26 =	sadd.s32 s11, s8;
	s5 =	ssub.s32 s5, s7;
	s22 =	sadd.s32 s18, s9  }
0xd: {  	s6 =	sadd.s32 s20, s6;
	s14 =	sadd.s32 s13, s26;
	s18 =	simm.s32 $0x4200  }
0xe: {  	s20 =	simm.s32 $0x8200;
	s26 =	simm.s32 $0x4;
	s4 =	sshrl.u32 s4, $0x3  }
0xf: {  	s21 =	smax.u32 s5, $0x1;
	s7 =	sor.u32 $0x380, s22;
	s9 =	sor.u32 $0x300, s22  }
0x10: {  	s6 =	sshrl.u32 s6, $0x3;
	s25 =	sor.u32 $0x280, s22;
	s5 =	sor.u32 $0x200, s22  }
0x11: {  	s22 =	simm.s32 $0xC200;
	s4 =	sadd.s32 s0, s4;
	[dreg:$0x8] =	wrdreg s21  }
0x12: {  	s7 =	sshrl.u32 s7, $0x3;
	s23 =	sshrl.u32 s9, $0x3;
	s9 =	sadd.s32 s6, s8  }
0x13: {  	s12 =	sshrl.u32 s5, $0x3;
	s10 =	sadd.s32 $0x10, s4;
	[dreg:$0x4] =	wrdreg s4  }
0x14: {  	s21 =	simm.s32 $0x180;
	s19 =	sadd.s32 $0x20, s4;
	[dreg:$0x5] =	wrdreg s10  }
.Ltmp0:
0x15: {  	s4 =	sadd.s32 $0x30, s4;
	[dreg:$0x6] =	wrdreg s19;
	(pc) =	sbr.rel .LBB2_1-.Ltmp0, $4  }
0x16: {  	s24 =	sadd.s32 s7, s0;
	s6 =	sadd.s32 s23, s0;
	[dreg:$0x7] =	wrdreg s4  }
0x17: {  	s1 =	sadd.s32 s12, s0;
	s23 =	simm.s32 $0x1;
	[dreg:$0x9] =	wrdreg s24  }
0x18: {  	s10 =	sshrl.u32 s25, $0x3;
	s19 =	simm.s32 $0x100;
	s24 =	simm.s32 $0x2  }
0x19: {  	s25 =	simm.s32 $0x3;
	s5 =	sadd.s32 s10, s0;
	s0 =	simm.s32 $0x0  }
.LBB2_4:
0x1a: {  	_ =	swait.ge [sflag:s29], $0x4000  }
0x1b: {  	[sflag:s29] =	ssyncset.done $0x0  }
0x1c: {  	[sflag:s29] =	ssyncadd.s32 $0xFFFFC000  }
0x1d: {  	_ =	swait.ge [sflag:s30], $0x4000  }
0x1e: {  	[sflag:s30] =	ssyncset.done $0x0  }
0x1f: {  	[sflag:s30] =	ssyncadd.s32 $0xFFFFC000  }
0x20: {  	_ =	swait.ge [sflag:s31], $0x4000  }
0x21: {  	s0 =	sadd.s32 $0x1, s0;
	s4 =	rddreg [dreg:$0x8]  }
0x22: {  	p0 =	sne.s32 s0, s4  }
.Ltmp1:
0x23: {  	_ = 	snop;
	(pc) =	sbr.rel @!p0 .LBB2_5-.Ltmp1, $3  }
0x24: {  	_ =	sdelay $0x1  }
0x25: {  	[sflag:s31] =	ssyncset.done $0x0  }
0x26: {  	[sflag:s31] =	ssyncadd.s32 $0xFFFFC000  }
.LBB2_1:
0x27: {  	s4 =	rddreg [dreg:$0x4]  }
0x28: {  	[tilespmem:s3], [sflag:$0x9] =	stream.linear.gather [hbm4b:s4+s3], $0x80, $0x38;
	[tilespmem:$0x10200] =	vst v63  }
0x29: {  	_ =	swait.ge [sflag:s15], $0x80  }
0x2a: {  	[sflag:s15] =	ssyncset.done $0x0  }
0x2b: {  	[sflag:s15] =	ssyncadd.s32 $0xFFFFFF80  }
0x2c: {  	[tilespmem:s17], [sflag:$0x1] =	stream.indirect.gather [hbm4b:s2+s16], $0x80, s3, s16, $0xb8;
	[tilespmem:$0x10200] =	vst v63  }
0x2d: {  	s11 =	rddreg [dreg:$0x5]  }
0x2e: {  	[tilespmem:s16], [sflag:$0x9] =	stream.linear.gather [hbm4b:s11+s3], $0x80, $0x38;
	[tilespmem:$0x10200] =	vst v63  }
0x2f: {  	_ =	swait.ge [sflag:s15], $0x80  }
0x30: {  	[sflag:s15] =	ssyncset.done $0x0  }
0x31: {  	[sflag:s15] =	ssyncadd.s32 $0xFFFFFF80  }
0x32: {  	[tilespmem:s18], [sflag:$0x2] =	stream.indirect.gather [hbm4b:s2+s16], $0x80, s16, s16, $0xb8;
	[tilespmem:$0x10200] =	vst v63  }
0x33: {  	s12 =	rddreg [dreg:$0x6]  }
0x34: {  	[tilespmem:s19], [sflag:$0x9] =	stream.linear.gather [hbm4b:s12+s3], $0x80, $0x38;
	[tilespmem:$0x10200] =	vst v63  }
0x35: {  	_ =	swait.ge [sflag:s15], $0x80  }
0x36: {  	[sflag:s15] =	ssyncset.done $0x0  }
0x37: {  	[sflag:s15] =	ssyncadd.s32 $0xFFFFFF80  }
0x38: {  	[tilespmem:s20], [sflag:$0x3] =	stream.indirect.gather [hbm4b:s2+s16], $0x80, s19, s16, $0xb8;
	[tilespmem:$0x10200] =	vst v63  }
0x39: {  	s13 =	rddreg [dreg:$0x7]  }
0x3a: {  	[tilespmem:s21], [sflag:$0x9] =	stream.linear.gather [hbm4b:s13+s3], $0x80, $0x38;
	[tilespmem:$0x10200] =	vst v63  }
0x3b: {  	s8 =	simm.s32 $0x0;
	_ =	swait.ge [sflag:s15], $0x80  }
0x3c: {  	s11 =	smov.u32 s6;
	s12 =	smov.u32 s5;
	[sflag:s15] =	ssyncset.done $0x0  }
0x3d: {  	s13 =	smov.u32 s1;
	s10 =	rddreg [dreg:$0x9];
	[sflag:s15] =	ssyncadd.s32 $0xFFFFFF80  }
0x3e: {  	[tilespmem:s22], [sflag:$0x4] =	stream.indirect.gather [hbm4b:s2+s16], $0x80, s21, s16, $0xb8;
	[tilespmem:$0x10200] =	vst v63  }
.LBB2_2:
0x3f: {  	_ =	swait.ge [sflag:s23], $0x4000  }
0x40: {  	[sflag:s23] =	ssyncset.done $0x0  }
0x41: {  	s4 =	sadd.s32 s8, s9;
	[sflag:s23] =	ssyncadd.s32 $0xFFFFC000  }
0x42: {  	[hbm4b:s4+s3] =	stream.linear.scatter [tilespmem:s17], [sflag:$0x5], $0x4000, $0x38;
	[tilespmem:$0x10200] =	vst v63  }
0x43: {  	_ =	swait.ge [sflag:s24], $0x4000  }
0x44: {  	s4 =	sadd.s32 s8, s14;
	[sflag:s24] =	ssyncset.done $0x0  }
0x45: {  	s7 =	sadd.s32 $0x800, s4;
	[sflag:s24] =	ssyncadd.s32 $0xFFFFC000  }
0x46: {  	[hbm4b:s7+s3] =	stream.linear.scatter [tilespmem:s18], [sflag:$0x6], $0x4000, $0x38;
	[tilespmem:$0x10200] =	vst v63  }
0x47: {  	_ =	swait.ge [sflag:s25], $0x4000  }
0x48: {  	[sflag:s25] =	ssyncset.done $0x0  }
0x49: {  	s7 =	sadd.s32 $0x1000, s4;
	[sflag:s25] =	ssyncadd.s32 $0xFFFFC000  }
0x4a: {  	[hbm4b:s7+s3] =	stream.linear.scatter [tilespmem:s20], [sflag:$0x7], $0x4000, $0x38;
	[tilespmem:$0x10200] =	vst v63  }
0x4b: {  	_ =	swait.ge [sflag:s26], $0x4000  }
0x4c: {  	p0 =	seq.s32 s8, $0x62000;
	[sflag:s26] =	ssyncset.done $0x0  }
.Ltmp2:
0x4d: {  	s4 =	sadd.s32 $0x1800, s4;
	[sflag:s26] =	ssyncadd.s32 $0xFFFFC000;
	(pc) =	sbr.rel @p0 .LBB2_4-.Ltmp2, $4  }
0x4e: {  	[hbm4b:s4+s3] =	stream.linear.scatter [tilespmem:s22], [sflag:$0x8], $0x4000, $0x38;
	[tilespmem:$0x10200] =	vst v63  }
0x4f: {  	_ =	swait.ge [sflag:s28], $0x4000  }
0x50: {  	[sflag:s28] =	ssyncset.done $0x0  }
0x51: {  	[sflag:s28] =	ssyncadd.s32 $0xFFFFC000  }
0x52: {  	[tilespmem:s3], [sflag:$0x9] =	stream.linear.gather [hbm4b:s13+s3], $0x80, $0x38;
	[tilespmem:$0x10200] =	vst v63  }
0x53: {  	_ =	swait.ge [sflag:s15], $0x80  }
0x54: {  	[sflag:s15] =	ssyncset.done $0x0  }
0x55: {  	[sflag:s15] =	ssyncadd.s32 $0xFFFFFF80  }
0x56: {  	[tilespmem:s17], [sflag:$0x1] =	stream.indirect.gather [hbm4b:s2+s16], $0x80, s3, s16, $0xb8;
	[tilespmem:$0x10200] =	vst v63  }
0x57: {  	_ =	swait.ge [sflag:s29], $0x4000  }
0x58: {  	[sflag:s29] =	ssyncset.done $0x0  }
0x59: {  	[sflag:s29] =	ssyncadd.s32 $0xFFFFC000  }
0x5a: {  	[tilespmem:s16], [sflag:$0x9] =	stream.linear.gather [hbm4b:s12+s3], $0x80, $0x38;
	[tilespmem:$0x10200] =	vst v63  }
0x5b: {  	_ =	swait.ge [sflag:s15], $0x80  }
0x5c: {  	[sflag:s15] =	ssyncset.done $0x0  }
0x5d: {  	[sflag:s15] =	ssyncadd.s32 $0xFFFFFF80  }
0x5e: {  	[tilespmem:s18], [sflag:$0x2] =	stream.indirect.gather [hbm4b:s2+s16], $0x80, s16, s16, $0xb8;
	[tilespmem:$0x10200] =	vst v63  }
0x5f: {  	_ =	swait.ge [sflag:s30], $0x4000  }
0x60: {  	[sflag:s30] =	ssyncset.done $0x0  }
0x61: {  	[sflag:s30] =	ssyncadd.s32 $0xFFFFC000  }
0x62: {  	[tilespmem:s19], [sflag:$0x9] =	stream.linear.gather [hbm4b:s11+s3], $0x80, $0x38;
	[tilespmem:$0x10200] =	vst v63  }
0x63: {  	_ =	swait.ge [sflag:s15], $0x80  }
0x64: {  	[sflag:s15] =	ssyncset.done $0x0  }
0x65: {  	[sflag:s15] =	ssyncadd.s32 $0xFFFFFF80  }
0x66: {  	[tilespmem:s20], [sflag:$0x3] =	stream.indirect.gather [hbm4b:s2+s16], $0x80, s19, s16, $0xb8;
	[tilespmem:$0x10200] =	vst v63  }
0x67: {  	_ =	swait.ge [sflag:s31], $0x4000  }
0x68: {  	[sflag:s31] =	ssyncset.done $0x0  }
0x69: {  	[sflag:s31] =	ssyncadd.s32 $0xFFFFC000  }
0x6a: {  	[tilespmem:s21], [sflag:$0x9] =	stream.linear.gather [hbm4b:s10+s3], $0x80, $0x38;
	[tilespmem:$0x10200] =	vst v63  }
.Ltmp3:
0x6b: {  	_ = 	snop;
	(pc) =	sbr.rel .LBB2_2-.Ltmp3, $4  }
0x6c: {  	s8 =	sadd.s32 $0x2000, s8;
	_ =	swait.ge [sflag:s15], $0x80  }
0x6d: {  	s13 =	sadd.s32 $0x40, s13;
	s12 =	sadd.s32 $0x40, s12;
	[sflag:s15] =	ssyncset.done $0x0  }
0x6e: {  	s11 =	sadd.s32 $0x40, s11;
	s10 =	sadd.s32 $0x40, s10;
	[sflag:s15] =	ssyncadd.s32 $0xFFFFFF80  }
0x6f: {  	[tilespmem:s22], [sflag:$0x4] =	stream.indirect.gather [hbm4b:s2+s16], $0x80, s21, s16, $0xb8;
	[tilespmem:$0x10200] =	vst v63  }
.LBB2_5:
0x70: {  	_ =	sfence.sel $0x180000  }
0x71: {  	[bflag:$0x0] =	sbarrier.arrive $0xFFFF  }
0x72: {  	_ =	strace $0x90000047  }
0x73: {  	s0 =	stileid.u32;
	[bflag:$0x2] =	sbarrier.arrive $0xFFFF  }
0x74: {  	p0 =	sne.s32 s0, $0x0;
	s0 =	rddreg [dreg:$0x3]  }
0x75: {  	s0 =	sadd.s32 @!p0 $0x100000, s0  }
0x76: {  	[sflag:s0] =	ssyncadd.tile.s32 @!p0 $0x1;
	_ =	shalt  }
.Lfunc_end2:
_tile_overlayer_lowered:
.L_overlay_start_2:
0x77: {  	(tag) =	ssettag $0x2  }
0x78: {  	s0 =	rddreg [dreg:$0x0];
	s2 =	stileid.u32  }
0x79: {  	s1 =	rddreg [dreg:$0x1];
	p0 =	sne.s32 s2, $0x0  }
0x7a: {  	s3 =	rddreg [dreg:$0x2];
	[bflag:$0x3] =	sbarrier.arrive $0xFFFF;
	s2 =	simm.s32 @!p0 $0x1C09  }
0x7b: {  	[timem:s3], [sflag:s2] =	dma.local @!p0 [hbm:s0], s1  }
0x7c: {  	s0 =	simm.s32 @!p0 $0x9  }
0x7d: {  	_ =	swait.ge @!p0 [sflag:s0], s1  }
0x7e: {  	s1 =	ssub.s32 @!p0 $0x0, s1;
	[sflag:s0] =	ssyncset.done @!p0 $0x0  }
0x7f: {  	[sflag:s0] =	ssyncadd.s32 @!p0 s1  }
0x80: {  	[bflag:$0x3] =	sbarrier.arrive $0xFFFF  }
0x81: {  	_ =	shalt  }

</sc_bundles>
